<compile_context>
chip_gen: v7x
topology: tpu7x:2x2x1
jax: 0.10.2.dev20260603
libtpu: 0.0.44.dev20260713+nightly
codegen_flags: <defaults>
</compile_context>

<pallas_src>
import functools

import jax
import jax.numpy as jnp
from jax import lax
from jax.experimental import pallas as pl
from jax.experimental.pallas import tpu as pltpu


def _pool_mask_kernel(ns, s_size, x_ref, w1_ref, b1_ref, w2_ref, b2_ref,
                      g_ref, scal_ref, mask_ref, acc_ref):
    b = pl.program_id(0)
    s = pl.program_id(1)
    nb = pl.num_programs(0)

    part = jnp.sum(x_ref[0].astype(jnp.float32), axis=(1, 2))

    @pl.when(s == 0)
    def _init():
        acc_ref[b, :] = part

    @pl.when(s != 0)
    def _acc():
        acc_ref[b, :] = acc_ref[b, :] + part

    @pl.when(jnp.logical_and(b == nb - 1, s == ns - 1))
    def _gate():
        a1 = scal_ref[0]
        a2 = scal_ref[1]
        tf = scal_ref[2]
        pooled = acc_ref[...] / jnp.float32(s_size)
        h = lax.dot_general(pooled, w1_ref[...], (((1,), (1,)), ((), ())),
                            preferred_element_type=jnp.float32)
        h = h + b1_ref[...][None, :]
        h = jnp.where(h >= 0, h, a1 * h)
        h = lax.dot_general(h, w2_ref[...], (((1,), (1,)), ((), ())),
                            preferred_element_type=jnp.float32)
        h = h + b2_ref[...][None, :]
        h = jnp.where(h >= 0, h, a2 * h)
        sft = jax.nn.softmax(h, axis=1)
        mask = jax.nn.softmax(sft + g_ref[...], axis=1)
        idx = jnp.argmax(mask, axis=1)
        iota = lax.broadcasted_iota(jnp.int32, mask.shape, 1)
        hard = jnp.where(iota == idx[:, None], jnp.float32(1), jnp.float32(0))
        mask_ref[...] = jnp.where(tf == 1, hard, mask)


def _wsum_kernel(x_ref, mask_ref, o_ref):
    b = pl.program_id(0)
    xb = x_ref[0]
    acc = mask_ref[b, 0] * xb[0:48].astype(jnp.float32)
    for o in range(1, 8):
        acc = acc + mask_ref[b, o] * xb[48 * o:48 * (o + 1)].astype(jnp.float32)
    o_ref[0] = acc


def kernel(x, W1, b1, a1, W2, b2, a2, test_flag):
    B, C, H, Wd = x.shape
    O = W2.shape[0]
    S = H * Wd
    WP = 256

    xpb = jnp.pad(x, ((0, 0), (0, 0), (0, 0), (0, WP - Wd))).astype(jnp.bfloat16)

    u = jax.random.uniform(jax.random.key(42), (B, O),
                           minval=1e-6, maxval=1.0 - 1e-6)
    g = -jnp.log(-jnp.log(u))

    scal = jnp.stack([jnp.float32(a1), jnp.float32(a2),
                      jnp.asarray(test_flag, jnp.float32)])

    NS = 7
    HB = H // NS

    mask = pl.pallas_call(
        functools.partial(_pool_mask_kernel, NS, S),
        grid=(B, NS),
        in_specs=[
            pl.BlockSpec((1, C, HB, WP), lambda b, s: (b, 0, s, 0)),
            pl.BlockSpec((C, C), lambda b, s: (0, 0)),
            pl.BlockSpec((C,), lambda b, s: (0,)),
            pl.BlockSpec((O, C), lambda b, s: (0, 0)),
            pl.BlockSpec((O,), lambda b, s: (0,)),
            pl.BlockSpec((B, O), lambda b, s: (0, 0)),
            pl.BlockSpec(memory_space=pltpu.SMEM),
        ],
        out_specs=pl.BlockSpec((B, O), lambda b, s: (0, 0)),
        out_shape=jax.ShapeDtypeStruct((B, O), jnp.float32),
        scratch_shapes=[pltpu.VMEM((B, C), jnp.float32)],
        compiler_params=pltpu.CompilerParams(
            dimension_semantics=("arbitrary", "arbitrary")),
    )(xpb, W1, b1, W2, b2, g, scal)

    outp = pl.pallas_call(
        _wsum_kernel,
        grid=(B, NS),
        in_specs=[
            pl.BlockSpec((1, C, HB, WP), lambda b, s: (b, 0, s, 0)),
            pl.BlockSpec(memory_space=pltpu.SMEM),
        ],
        out_specs=pl.BlockSpec((1, C // O, HB, WP), lambda b, s: (b, 0, s, 0)),
        out_shape=jax.ShapeDtypeStruct((B, C // O, H, WP), jnp.float32),
        compiler_params=pltpu.CompilerParams(
            dimension_semantics=("arbitrary", "arbitrary")),
    )(xpb, mask)

    return outp[:, :, :, :Wd], mask.reshape(B, O, 1, 1, 1)

# --- scband reference (transcript-rebuilt; emitter-appended) ---
"""Pipeline reference for scband-gumble-block-2-d-all-15083925143619 (READ-ONLY COPY).

The authoritative reference and input builder live on the scoring server;
editing this copy changes nothing except your own understanding.
"""

import jax, jax.numpy as jnp
import numpy as np


def setup_inputs(seed: int = 0) -> dict:
    key = jax.random.key(seed)
    ks = jax.random.split(key, 4)
    B, C, H, W = 4, 384, 224, 224
    O = 8
    x = jax.random.normal(ks[0], (B, C, H, W), dtype=jnp.float32)
    W1 = jax.random.normal(ks[1], (C, C), dtype=jnp.float32) * 0.02
    b1 = jnp.zeros((C,), dtype=jnp.float32)
    a1 = jnp.float32(0.25)
    W2 = jax.random.normal(ks[2], (O, C), dtype=jnp.float32) * 0.02
    b2 = jnp.zeros((O,), dtype=jnp.float32)
    a2 = jnp.float32(0.25)
    return {"x": x, "W1": W1, "b1": b1, "a1": a1, "W2": W2, "b2": b2, "a2": a2, "test_flag": 0}


def reference(x, W1, b1, a1, W2, b2, a2, test_flag):
    B, C, H, Wd = x.shape
    O = W2.shape[0]
    tau = 1.0
    # ch_mask_1: AdaptiveAvgPool2d(1) -> 1x1 conv -> PReLU -> 1x1 conv -> PReLU
    pooled = jnp.mean(x, axis=(2, 3))  # [B, C]
    h = pooled @ W1.T + b1
    h = jnp.where(h >= 0, h, a1 * h)
    h = h @ W2.T + b2
    h = jnp.where(h >= 0, h, a2 * h)  # [B, O]
    # gumbel_softmax (dim=1, tau): softmax first, add gumbel noise, softmax again
    s = jax.nn.softmax(h, axis=1)
    u = jax.random.uniform(jax.random.key(42), s.shape, minval=1e-6, maxval=1.0 - 1e-6)
    g = -jnp.log(-jnp.log(u))
    mask = jax.nn.softmax((s + g) / tau, axis=1)  # [B, O]
    idx = jnp.argmax(mask, axis=1)  # [B]
    mask_hard = jax.nn.one_hot(idx, O, dtype=x.dtype)
    mask = jnp.where(test_flag == 1, mask_hard, mask)
    out = x.reshape(B, O, C // O, H, Wd)
    m5 = mask.reshape(B, O, 1, 1, 1)
    input_conv = jnp.sum(out * m5, axis=1)  # [B, C//O, H, W]
    return input_conv, m5

if __name__ == "__main__":
    import jax
    _d = setup_inputs()
    print(jax.jit(kernel)(*tuple(_d.values())))

</pallas_src>

<mosaic_0001>
module attributes {stable_mosaic.version = 14 : i64} {
  func.func @_pool_mask_kernel(%arg0: i32, %arg1: i32, %arg2: memref<1x384x32x256xbf16, #tpu.memory_space<vmem>>, %arg3: memref<384x384xf32, #tpu.memory_space<vmem>>, %arg4: memref<384xf32, #tpu.memory_space<vmem>>, %arg5: memref<8x384xf32, #tpu.memory_space<vmem>>, %arg6: memref<8xf32, #tpu.memory_space<vmem>>, %arg7: memref<4x8xf32, #tpu.memory_space<vmem>>, %arg8: memref<3xf32, #tpu.memory_space<smem>>, %arg9: memref<4x8xf32, #tpu.memory_space<vmem>>, %arg10: memref<4x384xf32, #tpu.memory_space<vmem>>) attributes {dimension_semantics = [#tpu.dimension_semantics<arbitrary>, #tpu.dimension_semantics<arbitrary>], iteration_bounds = array<i64: 4, 7>, scalar_prefetch = 0 : i64, scratch_operands = 1 : i64, tpu.core_type = #tpu.core_type<tc>, window_params = [{transform_indices = @transform_0, window_bounds = array<i64: 1, 384, 32, 256>}, {pipeline_mode = #tpu.pipeline_mode<synchronous>, transform_indices = @transform_1, window_bounds = array<i64: 384, 384>}, {pipeline_mode = #tpu.pipeline_mode<synchronous>, transform_indices = @transform_2, window_bounds = array<i64: 384>}, {pipeline_mode = #tpu.pipeline_mode<synchronous>, transform_indices = @transform_3, window_bounds = array<i64: 8, 384>}, {pipeline_mode = #tpu.pipeline_mode<synchronous>, transform_indices = @transform_4, window_bounds = array<i64: 8>}, {pipeline_mode = #tpu.pipeline_mode<synchronous>, transform_indices = @transform_5, window_bounds = array<i64: 4, 8>}, {transform_indices = @transform_6, window_bounds = array<i64: 3>}, {pipeline_mode = #tpu.pipeline_mode<synchronous>, transform_indices = @transform_7, window_bounds = array<i64: 4, 8>}]} {
    %get3A = arith.constant 0 : index
    %get3A_0 = arith.constant 0 : index
    %get3A_1 = arith.constant 0 : index
    %get3A_2 = arith.constant 0 : index
    %get3A_3 = vector.load %arg2[%get3A, %get3A_0, %get3A_1, %get3A_2] : memref<1x384x32x256xbf16, #tpu.memory_space<vmem>>, vector<1x384x32x256xbf16>
    %get3A_4 = vector.shape_cast %get3A_3 : vector<1x384x32x256xbf16> to vector<384x32x256xbf16>
    %convert_element_type3A = arith.extf %get3A_4 : vector<384x32x256xbf16> to vector<384x32x256xf32>
    %reduce_sum3A = arith.constant dense<0.000000e+00> : vector<384xf32>
    %reduce_sum3A_5 = vector.multi_reduction <add>, %convert_element_type3A, %reduce_sum3A [1, 2] : vector<384x32x256xf32> to vector<384xf32>
    %eq3A = arith.constant 0 : i32
    %eq3A_6 = arith.cmpi eq, %arg1, %eq3A : i32
    %convert_element_type3A_7 = arith.extui %eq3A_6 : i1 to i32
    %cond3A = arith.constant 0 : i32
    %cond3A_8 = arith.cmpi ne, %convert_element_type3A_7, %cond3A : i32
    scf.if %cond3A_8 {
      %swap3A = arith.index_cast %arg0 : i32 to index
      %swap3A_20 = arith.constant 0 : index
      %swap3A_21 = vector.load %arg10[%swap3A, %swap3A_20] : memref<4x384xf32, #tpu.memory_space<vmem>>, vector<1x384xf32>
      %swap3A_22 = vector.shape_cast %swap3A_21 : vector<1x384xf32> to vector<384xf32>
      %swap3A_23 = vector.shape_cast %reduce_sum3A_5 : vector<384xf32> to vector<1x384xf32>
      tpu.vector_store %arg10[%swap3A, %swap3A_20], %swap3A_23 {strides = array<i32>} : memref<4x384xf32, #tpu.memory_space<vmem>>, vector<1x384xf32>,
    } else {
    }
    %ne3A = arith.constant 0 : i32
    %ne3A_9 = arith.cmpi ne, %arg1, %ne3A : i32
    %convert_element_type3A_10 = arith.extui %ne3A_9 : i1 to i32
    %cond3A_11 = arith.constant 0 : i32
    %cond3A_12 = arith.cmpi ne, %convert_element_type3A_10, %cond3A_11 : i32
    scf.if %cond3A_12 {
      %get3A_20 = arith.index_cast %arg0 : i32 to index
      %get3A_21 = arith.constant 0 : index
      %get3A_22 = vector.load %arg10[%get3A_20, %get3A_21] : memref<4x384xf32, #tpu.memory_space<vmem>>, vector<1x384xf32>
      %get3A_23 = vector.shape_cast %get3A_22 : vector<1x384xf32> to vector<384xf32>
      %add3A = arith.addf %get3A_23, %reduce_sum3A_5 : vector<384xf32>
      %swap3A = arith.index_cast %arg0 : i32 to index
      %swap3A_24 = arith.constant 0 : index
      %swap3A_25 = vector.load %arg10[%swap3A, %swap3A_24] : memref<4x384xf32, #tpu.memory_space<vmem>>, vector<1x384xf32>
      %swap3A_26 = vector.shape_cast %swap3A_25 : vector<1x384xf32> to vector<384xf32>
      %swap3A_27 = vector.shape_cast %add3A : vector<384xf32> to vector<1x384xf32>
      tpu.vector_store %arg10[%swap3A, %swap3A_24], %swap3A_27 {strides = array<i32>} : memref<4x384xf32, #tpu.memory_space<vmem>>, vector<1x384xf32>,
    } else {
    }
    %eq3A_13 = arith.constant 3 : i32
    %eq3A_14 = arith.cmpi eq, %arg0, %eq3A_13 : i32
    %eq3A_15 = arith.constant 6 : i32
    %eq3A_16 = arith.cmpi eq, %arg1, %eq3A_15 : i32
    %and3A = arith.andi %eq3A_14, %eq3A_16 : i1
    %convert_element_type3A_17 = arith.extui %and3A : i1 to i32
    %cond3A_18 = arith.constant 0 : i32
    %cond3A_19 = arith.cmpi ne, %convert_element_type3A_17, %cond3A_18 : i32
    scf.if %cond3A_19 {
      %get3A_20 = arith.constant 0 : index
      %get3A_21 = memref.load %arg8[%get3A_20] : memref<3xf32, #tpu.memory_space<smem>>
      %get3A_22 = arith.constant 1 : index
      %get3A_23 = memref.load %arg8[%get3A_22] : memref<3xf32, #tpu.memory_space<smem>>
      %get3A_24 = arith.constant 2 : index
      %get3A_25 = memref.load %arg8[%get3A_24] : memref<3xf32, #tpu.memory_space<smem>>
      %get3A_26 = arith.constant 0 : index
      %get3A_27 = arith.constant 0 : index
      %get3A_28 = vector.load %arg10[%get3A_26, %get3A_27] : memref<4x384xf32, #tpu.memory_space<vmem>>, vector<4x384xf32>
      %div3A = arith.constant 5.017600e+04 : f32
      %div3A_29 = vector.broadcast %div3A : f32 to vector<4x384xf32>
      %div3A_30 = arith.divf %get3A_28, %div3A_29 : vector<4x384xf32>
      %get3A_31 = arith.constant 0 : index
      %get3A_32 = arith.constant 0 : index
      %get3A_33 = vector.load %arg3[%get3A_31, %get3A_32] : memref<384x384xf32, #tpu.memory_space<vmem>>, vector<384x384xf32>
      %dot_general3A = arith.constant dense<0.000000e+00> : vector<4x384xf32>
      %dot_general3A_34 = tpu.matmul %div3A_30, %get3A_33, %dot_general3A {dimension_numbers = #tpu.dot_dimension_numbers<[1], [1], [0], [0], [0, 0, 1, 0], [], []>, transpose_lhs_hint = false} : vector<4x384xf32>, vector<384x384xf32>, vector<4x384xf32> -> vector<4x384xf32>
      %get3A_35 = arith.constant 0 : index
      %get3A_36 = vector.load %arg4[%get3A_35] : memref<384xf32, #tpu.memory_space<vmem>>, vector<384xf32>
      %broadcast_in_dim3A = vector.shape_cast %get3A_36 : vector<384xf32> to vector<1x384xf32>
      %add3A = vector.broadcast %broadcast_in_dim3A : vector<1x384xf32> to vector<4x384xf32>
      %add3A_37 = arith.addf %dot_general3A_34, %add3A : vector<4x384xf32>
      %ge3A = arith.constant 0.000000e+00 : f32
      %ge3A_38 = vector.broadcast %ge3A : f32 to vector<4x384xf32>
      %ge3A_39 = arith.cmpf oge, %add3A_37, %ge3A_38 : vector<4x384xf32>
      %mul3A = vector.broadcast %get3A_21 : f32 to vector<4x384xf32>
      %mul3A_40 = arith.mulf %mul3A, %add3A_37 : vector<4x384xf32>
      %select_n3A = arith.select %ge3A_39, %add3A_37, %mul3A_40 : vector<4x384xi1>, vector<4x384xf32>
      %get3A_41 = arith.constant 0 : index
      %get3A_42 = arith.constant 0 : index
      %get3A_43 = vector.load %arg5[%get3A_41, %get3A_42] : memref<8x384xf32, #tpu.memory_space<vmem>>, vector<8x384xf32>
      %dot_general3A_44 = arith.constant dense<0.000000e+00> : vector<4x8xf32>
      %dot_general3A_45 = tpu.matmul %select_n3A, %get3A_43, %dot_general3A_44 {dimension_numbers = #tpu.dot_dimension_numbers<[1], [1], [0], [0], [0, 0, 1, 0], [], []>, transpose_lhs_hint = false} : vector<4x384xf32>, vector<8x384xf32>, vector<4x8xf32> -> vector<4x8xf32>
      %get3A_46 = arith.constant 0 : index
      %get3A_47 = vector.load %arg6[%get3A_46] : memref<8xf32, #tpu.memory_space<vmem>>, vector<8xf32>
      %broadcast_in_dim3A_48 = vector.shape_cast %get3A_47 : vector<8xf32> to vector<1x8xf32>
      %add3A_49 = vector.broadcast %broadcast_in_dim3A_48 : vector<1x8xf32> to vector<4x8xf32>
      %add3A_50 = arith.addf %dot_general3A_45, %add3A_49 : vector<4x8xf32>
      %ge3A_51 = arith.constant 0.000000e+00 : f32
      %ge3A_52 = vector.broadcast %ge3A_51 : f32 to vector<4x8xf32>
      %ge3A_53 = arith.cmpf oge, %add3A_50, %ge3A_52 : vector<4x8xf32>
      %mul3A_54 = vector.broadcast %get3A_23 : f32 to vector<4x8xf32>
      %mul3A_55 = arith.mulf %mul3A_54, %add3A_50 : vector<4x8xf32>
      %select_n3A_56 = arith.select %ge3A_53, %add3A_50, %mul3A_55 : vector<4x8xi1>, vector<4x8xf32>
      %reduce_max3A = arith.constant dense<0xFF800000> : vector<4xf32>
      %reduce_max3A_57 = vector.multi_reduction <maximumf>, %select_n3A_56, %reduce_max3A [1] : vector<4x8xf32> to vector<4xf32>
      %max3A = arith.constant 0xFF800000 : f32
      %max3A_58 = vector.broadcast %max3A : f32 to vector<4xf32>
      %max3A_59 = arith.maximumf %max3A_58, %reduce_max3A_57 : vector<4xf32>
      %broadcast_in_dim3A_60 = vector.shape_cast %max3A_59 : vector<4xf32> to vector<4x1xf32>
      %sub3A = vector.broadcast %broadcast_in_dim3A_60 : vector<4x1xf32> to vector<4x8xf32>
      %sub3A_61 = arith.subf %select_n3A_56, %sub3A : vector<4x8xf32>
      %exp3A = math.exp %sub3A_61 : vector<4x8xf32>
      %reduce_sum3A_62 = arith.constant dense<0.000000e+00> : vector<4xf32>
      %reduce_sum3A_63 = vector.multi_reduction <add>, %exp3A, %reduce_sum3A_62 [1] : vector<4x8xf32> to vector<4xf32>
      %broadcast_in_dim3A_64 = vector.shape_cast %reduce_sum3A_63 : vector<4xf32> to vector<4x1xf32>
      %div3A_65 = vector.broadcast %broadcast_in_dim3A_64 : vector<4x1xf32> to vector<4x8xf32>
      %div3A_66 = arith.divf %exp3A, %div3A_65 : vector<4x8xf32>
      %get3A_67 = arith.constant 0 : index
      %get3A_68 = arith.constant 0 : index
      %get3A_69 = vector.load %arg7[%get3A_67, %get3A_68] : memref<4x8xf32, #tpu.memory_space<vmem>>, vector<4x8xf32>
      %add3A_70 = arith.addf %div3A_66, %get3A_69 : vector<4x8xf32>
      %reduce_max3A_71 = arith.constant dense<0xFF800000> : vector<4xf32>
      %reduce_max3A_72 = vector.multi_reduction <maximumf>, %add3A_70, %reduce_max3A_71 [1] : vector<4x8xf32> to vector<4xf32>
      %max3A_73 = arith.constant 0xFF800000 : f32
      %max3A_74 = vector.broadcast %max3A_73 : f32 to vector<4xf32>
      %max3A_75 = arith.maximumf %max3A_74, %reduce_max3A_72 : vector<4xf32>
      %broadcast_in_dim3A_76 = vector.shape_cast %max3A_75 : vector<4xf32> to vector<4x1xf32>
      %sub3A_77 = vector.broadcast %broadcast_in_dim3A_76 : vector<4x1xf32> to vector<4x8xf32>
      %sub3A_78 = arith.subf %add3A_70, %sub3A_77 : vector<4x8xf32>
      %exp3A_79 = math.exp %sub3A_78 : vector<4x8xf32>
      %reduce_sum3A_80 = arith.constant dense<0.000000e+00> : vector<4xf32>
      %reduce_sum3A_81 = vector.multi_reduction <add>, %exp3A_79, %reduce_sum3A_80 [1] : vector<4x8xf32> to vector<4xf32>
      %broadcast_in_dim3A_82 = vector.shape_cast %reduce_sum3A_81 : vector<4xf32> to vector<4x1xf32>
      %div3A_83 = vector.broadcast %broadcast_in_dim3A_82 : vector<4x1xf32> to vector<4x8xf32>
      %div3A_84 = arith.divf %exp3A_79, %div3A_83 : vector<4x8xf32>
      %argmax3A = tpu.reduce_index %div3A_84 {axis = 1 : i32, kind = #tpu.reduction_kind<arg_max>} : vector<4x8xf32> -> vector<4xi32>
      %iota3A = tpu.iota {dimensions = array<i32: 1>} : vector<4x8xi32>
      %broadcast_in_dim3A_85 = vector.shape_cast %argmax3A : vector<4xi32> to vector<4x1xi32>
      %eq3A_86 = vector.broadcast %broadcast_in_dim3A_85 : vector<4x1xi32> to vector<4x8xi32>
      %eq3A_87 = arith.cmpi eq, %iota3A, %eq3A_86 : vector<4x8xi32>
      %jit3A = arith.constant 1.000000e+00 : f32
      %jit3A_88 = arith.constant 0.000000e+00 : f32
      %broadcast_in_dim3A_89 = vector.broadcast %jit3A : f32 to vector<4x8xf32>
      %broadcast_in_dim3A_90 = vector.broadcast %jit3A_88 : f32 to vector<4x8xf32>
      %select_n3A_91 = arith.select %eq3A_87, %broadcast_in_dim3A_89, %broadcast_in_dim3A_90 : vector<4x8xi1>, vector<4x8xf32>
      %eq3A_92 = arith.constant 1.000000e+00 : f32
      %eq3A_93 = arith.cmpf oeq, %get3A_25, %eq3A_92 : f32
      %select_n3A_94 = arith.select %eq3A_93, %select_n3A_91, %div3A_84 : vector<4x8xf32>
      %swap3A = arith.constant 0 : index
      %swap3A_95 = arith.constant 0 : index
      %swap3A_96 = vector.load %arg9[%swap3A, %swap3A_95] : memref<4x8xf32, #tpu.memory_space<vmem>>, vector<4x8xf32>
      tpu.vector_store %arg9[%swap3A, %swap3A_95], %select_n3A_94 {strides = array<i32>} : memref<4x8xf32, #tpu.memory_space<vmem>>, vector<4x8xf32>,
    } else {
    }
    return
  }
  func.func @transform_0(%arg0: i32, %arg1: i32) -> (i32, i32, i32, i32) {
    %c0_i32 = arith.constant 0 : i32
    %c0_i32_0 = arith.constant 0 : i32
    %c0_i32_1 = arith.constant 0 : i32
    return %arg0, %c0_i32, %arg1, %c0_i32_0 : i32, i32, i32, i32
  }
  func.func @transform_1(%arg0: i32, %arg1: i32) -> (i32, i32) {
    %c0_i32 = arith.constant 0 : i32
    %c0_i32_0 = arith.constant 0 : i32
    %c0_i32_1 = arith.constant 0 : i32
    return %c0_i32, %c0_i32_0 : i32, i32
  }
  func.func @transform_2(%arg0: i32, %arg1: i32) -> i32 {
    %c0_i32 = arith.constant 0 : i32
    %c0_i32_0 = arith.constant 0 : i32
    return %c0_i32 : i32
  }
  func.func @transform_3(%arg0: i32, %arg1: i32) -> (i32, i32) {
    %c0_i32 = arith.constant 0 : i32
    %c0_i32_0 = arith.constant 0 : i32
    %c0_i32_1 = arith.constant 0 : i32
    return %c0_i32, %c0_i32_0 : i32, i32
  }
  func.func @transform_4(%arg0: i32, %arg1: i32) -> i32 {
    %c0_i32 = arith.constant 0 : i32
    %c0_i32_0 = arith.constant 0 : i32
    return %c0_i32 : i32
  }
  func.func @transform_5(%arg0: i32, %arg1: i32) -> (i32, i32) {
    %c0_i32 = arith.constant 0 : i32
    %c0_i32_0 = arith.constant 0 : i32
    %c0_i32_1 = arith.constant 0 : i32
    return %c0_i32, %c0_i32_0 : i32, i32
  }
  func.func @transform_6(%arg0: i32, %arg1: i32) -> i32 {
    %c0_i32 = arith.constant 0 : i32
    %c0_i32_0 = arith.constant 0 : i32
    return %c0_i32 : i32
  }
  func.func @transform_7(%arg0: i32, %arg1: i32) -> (i32, i32) {
    %c0_i32 = arith.constant 0 : i32
    %c0_i32_0 = arith.constant 0 : i32
    %c0_i32_1 = arith.constant 0 : i32
    return %c0_i32, %c0_i32_0 : i32, i32
  }
}

module attributes {stable_mosaic.version = 14 : i64} {
  func.func @_wsum_kernel(%arg0: i32, %arg1: i32, %arg2: memref<1x384x32x256xbf16, #tpu.memory_space<vmem>>, %arg3: memref<4x8xf32, #tpu.memory_space<smem>>, %arg4: memref<1x48x32x256xf32, #tpu.memory_space<vmem>>) attributes {dimension_semantics = [#tpu.dimension_semantics<arbitrary>, #tpu.dimension_semantics<arbitrary>], iteration_bounds = array<i64: 4, 7>, scalar_prefetch = 0 : i64, scratch_operands = 0 : i64, tpu.core_type = #tpu.core_type<tc>, window_params = [{transform_indices = @transform_0, window_bounds = array<i64: 1, 384, 32, 256>}, {transform_indices = @transform_1, window_bounds = array<i64: 4, 8>}, {transform_indices = @transform_2, window_bounds = array<i64: 1, 48, 32, 256>}]} {
    %get3A = arith.constant 0 : index
    %get3A_0 = arith.constant 0 : index
    %get3A_1 = arith.constant 0 : index
    %get3A_2 = arith.constant 0 : index
    %get3A_3 = vector.load %arg2[%get3A, %get3A_0, %get3A_1, %get3A_2] : memref<1x384x32x256xbf16, #tpu.memory_space<vmem>>, vector<1x384x32x256xbf16>
    %get3A_4 = vector.shape_cast %get3A_3 : vector<1x384x32x256xbf16> to vector<384x32x256xbf16>
    %get3A_5 = arith.index_cast %arg0 : i32 to index
    %get3A_6 = arith.constant 0 : index
    %get3A_7 = memref.load %arg3[%get3A_5, %get3A_6] : memref<4x8xf32, #tpu.memory_space<smem>>
    %slice3A = vector.extract_strided_slice %get3A_4 {offsets = [0, 0, 0], sizes = [48, 32, 256], strides = [1, 1, 1]} : vector<384x32x256xbf16> to vector<48x32x256xbf16>
    %convert_element_type3A = arith.extf %slice3A : vector<48x32x256xbf16> to vector<48x32x256xf32>
    %mul3A = vector.broadcast %get3A_7 : f32 to vector<48x32x256xf32>
    %mul3A_8 = arith.mulf %mul3A, %convert_element_type3A : vector<48x32x256xf32>
    %get3A_9 = arith.index_cast %arg0 : i32 to index
    %get3A_10 = arith.constant 1 : index
    %get3A_11 = memref.load %arg3[%get3A_9, %get3A_10] : memref<4x8xf32, #tpu.memory_space<smem>>
    %slice3A_12 = vector.extract_strided_slice %get3A_4 {offsets = [48, 0, 0], sizes = [48, 32, 256], strides = [1, 1, 1]} : vector<384x32x256xbf16> to vector<48x32x256xbf16>
    %convert_element_type3A_13 = arith.extf %slice3A_12 : vector<48x32x256xbf16> to vector<48x32x256xf32>
    %mul3A_14 = vector.broadcast %get3A_11 : f32 to vector<48x32x256xf32>
    %mul3A_15 = arith.mulf %mul3A_14, %convert_element_type3A_13 : vector<48x32x256xf32>
    %add3A = arith.addf %mul3A_8, %mul3A_15 : vector<48x32x256xf32>
    %get3A_16 = arith.index_cast %arg0 : i32 to index
    %get3A_17 = arith.constant 2 : index
    %get3A_18 = memref.load %arg3[%get3A_16, %get3A_17] : memref<4x8xf32, #tpu.memory_space<smem>>
    %slice3A_19 = vector.extract_strided_slice %get3A_4 {offsets = [96, 0, 0], sizes = [48, 32, 256], strides = [1, 1, 1]} : vector<384x32x256xbf16> to vector<48x32x256xbf16>
    %convert_element_type3A_20 = arith.extf %slice3A_19 : vector<48x32x256xbf16> to vector<48x32x256xf32>
    %mul3A_21 = vector.broadcast %get3A_18 : f32 to vector<48x32x256xf32>
    %mul3A_22 = arith.mulf %mul3A_21, %convert_element_type3A_20 : vector<48x32x256xf32>
    %add3A_23 = arith.addf %add3A, %mul3A_22 : vector<48x32x256xf32>
    %get3A_24 = arith.index_cast %arg0 : i32 to index
    %get3A_25 = arith.constant 3 : index
    %get3A_26 = memref.load %arg3[%get3A_24, %get3A_25] : memref<4x8xf32, #tpu.memory_space<smem>>
    %slice3A_27 = vector.extract_strided_slice %get3A_4 {offsets = [144, 0, 0], sizes = [48, 32, 256], strides = [1, 1, 1]} : vector<384x32x256xbf16> to vector<48x32x256xbf16>
    %convert_element_type3A_28 = arith.extf %slice3A_27 : vector<48x32x256xbf16> to vector<48x32x256xf32>
    %mul3A_29 = vector.broadcast %get3A_26 : f32 to vector<48x32x256xf32>
    %mul3A_30 = arith.mulf %mul3A_29, %convert_element_type3A_28 : vector<48x32x256xf32>
    %add3A_31 = arith.addf %add3A_23, %mul3A_30 : vector<48x32x256xf32>
    %get3A_32 = arith.index_cast %arg0 : i32 to index
    %get3A_33 = arith.constant 4 : index
    %get3A_34 = memref.load %arg3[%get3A_32, %get3A_33] : memref<4x8xf32, #tpu.memory_space<smem>>
    %slice3A_35 = vector.extract_strided_slice %get3A_4 {offsets = [192, 0, 0], sizes = [48, 32, 256], strides = [1, 1, 1]} : vector<384x32x256xbf16> to vector<48x32x256xbf16>
    %convert_element_type3A_36 = arith.extf %slice3A_35 : vector<48x32x256xbf16> to vector<48x32x256xf32>
    %mul3A_37 = vector.broadcast %get3A_34 : f32 to vector<48x32x256xf32>
    %mul3A_38 = arith.mulf %mul3A_37, %convert_element_type3A_36 : vector<48x32x256xf32>
    %add3A_39 = arith.addf %add3A_31, %mul3A_38 : vector<48x32x256xf32>
    %get3A_40 = arith.index_cast %arg0 : i32 to index
    %get3A_41 = arith.constant 5 : index
    %get3A_42 = memref.load %arg3[%get3A_40, %get3A_41] : memref<4x8xf32, #tpu.memory_space<smem>>
    %slice3A_43 = vector.extract_strided_slice %get3A_4 {offsets = [240, 0, 0], sizes = [48, 32, 256], strides = [1, 1, 1]} : vector<384x32x256xbf16> to vector<48x32x256xbf16>
    %convert_element_type3A_44 = arith.extf %slice3A_43 : vector<48x32x256xbf16> to vector<48x32x256xf32>
    %mul3A_45 = vector.broadcast %get3A_42 : f32 to vector<48x32x256xf32>
    %mul3A_46 = arith.mulf %mul3A_45, %convert_element_type3A_44 : vector<48x32x256xf32>
    %add3A_47 = arith.addf %add3A_39, %mul3A_46 : vector<48x32x256xf32>
    %get3A_48 = arith.index_cast %arg0 : i32 to index
    %get3A_49 = arith.constant 6 : index
    %get3A_50 = memref.load %arg3[%get3A_48, %get3A_49] : memref<4x8xf32, #tpu.memory_space<smem>>
    %slice3A_51 = vector.extract_strided_slice %get3A_4 {offsets = [288, 0, 0], sizes = [48, 32, 256], strides = [1, 1, 1]} : vector<384x32x256xbf16> to vector<48x32x256xbf16>
    %convert_element_type3A_52 = arith.extf %slice3A_51 : vector<48x32x256xbf16> to vector<48x32x256xf32>
    %mul3A_53 = vector.broadcast %get3A_50 : f32 to vector<48x32x256xf32>
    %mul3A_54 = arith.mulf %mul3A_53, %convert_element_type3A_52 : vector<48x32x256xf32>
    %add3A_55 = arith.addf %add3A_47, %mul3A_54 : vector<48x32x256xf32>
    %get3A_56 = arith.index_cast %arg0 : i32 to index
    %get3A_57 = arith.constant 7 : index
    %get3A_58 = memref.load %arg3[%get3A_56, %get3A_57] : memref<4x8xf32, #tpu.memory_space<smem>>
    %slice3A_59 = vector.extract_strided_slice %get3A_4 {offsets = [336, 0, 0], sizes = [48, 32, 256], strides = [1, 1, 1]} : vector<384x32x256xbf16> to vector<48x32x256xbf16>
    %convert_element_type3A_60 = arith.extf %slice3A_59 : vector<48x32x256xbf16> to vector<48x32x256xf32>
    %mul3A_61 = vector.broadcast %get3A_58 : f32 to vector<48x32x256xf32>
    %mul3A_62 = arith.mulf %mul3A_61, %convert_element_type3A_60 : vector<48x32x256xf32>
    %add3A_63 = arith.addf %add3A_55, %mul3A_62 : vector<48x32x256xf32>
    %swap3A = arith.constant 0 : index
    %swap3A_64 = arith.constant 0 : index
    %swap3A_65 = arith.constant 0 : index
    %swap3A_66 = arith.constant 0 : index
    %swap3A_67 = vector.load %arg4[%swap3A, %swap3A_64, %swap3A_65, %swap3A_66] : memref<1x48x32x256xf32, #tpu.memory_space<vmem>>, vector<1x48x32x256xf32>
    %swap3A_68 = vector.shape_cast %swap3A_67 : vector<1x48x32x256xf32> to vector<48x32x256xf32>
    %swap3A_69 = vector.shape_cast %add3A_63 : vector<48x32x256xf32> to vector<1x48x32x256xf32>
    tpu.vector_store %arg4[%swap3A, %swap3A_64, %swap3A_65, %swap3A_66], %swap3A_69 {strides = array<i32>} : memref<1x48x32x256xf32, #tpu.memory_space<vmem>>, vector<1x48x32x256xf32>,
    return
  }
  func.func @transform_0(%arg0: i32, %arg1: i32) -> (i32, i32, i32, i32) {
    %c0_i32 = arith.constant 0 : i32
    %c0_i32_0 = arith.constant 0 : i32
    %c0_i32_1 = arith.constant 0 : i32
    return %arg0, %c0_i32, %arg1, %c0_i32_0 : i32, i32, i32, i32
  }
  func.func @transform_1(%arg0: i32, %arg1: i32) -> (i32, i32) {
    %c0_i32 = arith.constant 0 : i32
    %c0_i32_0 = arith.constant 0 : i32
    %c0_i32_1 = arith.constant 0 : i32
    return %c0_i32, %c0_i32_0 : i32, i32
  }
  func.func @transform_2(%arg0: i32, %arg1: i32) -> (i32, i32, i32, i32) {
    %c0_i32 = arith.constant 0 : i32
    %c0_i32_0 = arith.constant 0 : i32
    %c0_i32_1 = arith.constant 0 : i32
    return %arg0, %c0_i32, %arg1, %c0_i32_0 : i32, i32, i32, i32
  }
}

</mosaic_0001>

<sc_bundles>
// kernel: sparse-core-data-format-call.cloned.1.call-start
scs
called_computation_lowered:
.L_overlay_start_0:
0x0: {  	s1 =	sld [smem:$0x3FD9]  }
0x1: {  	s2 =	sld [smem:$0x3FFE];
	_ =	sdelay $0x1  }
0x2: {  	s3 =	srdreg.scid  }
0x3: {  	s0 =	sand.u32 $0x1, s3  }
0x4: {  	s17 =	sshll.u32 s0, $0xA;
	s1 =	sadd.s32 s2, s1  }
0x5: {  	s1 =	sadd.s32 s1, s17  }
0x6: {  	[smem:$0x3FC0] =	sst s1  }
0x7: {  	_ = 	snop  }
0x8: {  	(tm) =	ssettm $0x1  }
0x9: {  	s18 =	sld [smem:$0x3FFB];
	_ =	sdelay $0x3  }
0xa: {  	_ =	strace s18  }
0xb: {  	s1 =	sld [smem:$0x3FFC];
	_ =	sdelay $0x3  }
0xc: {  	_ =	strace s1  }
0xd: {  	s1 =	sld [smem:$0x3FFD];
	_ =	sdelay $0x3  }
0xe: {  	_ =	strace s1  }
0xf: {  	_ =	strace $0x8FFFFFFF  }
0x10: {  	s19 =	sld [smem:$0x3FDB];
	_ =	sdelay $0x1  }
0x11: {  	s20 =	simm.s32 $_scs_section_size  }
0x12: {  	s4 =	simm.s32 $_size__tile_overlayer_lowered;
	s5 =	simm.s32 $_tile_overlayer_lowered  }
0x13: {  	s23 =	simm.s32 $0x1BFF;
	s22 =	sshll.u32 s5, $0x1;
	s1 =	sadd.s32 s20, s19  }
0x14: {  	s6 =	simm.s32 $0x0;
	s21 =	sshll.u32 s4, $0x1;
	s4 =	sadd.s32 s22, s1  }
0x15: {  	[timem:s6], [sflag:s23] =	dma.local [hbm:s4], s21  }
0x16: {  	_ =	swait.ge [sflag:s23], s21  }
0x17: {  	s2 =	ssub.s32 $0x0, s21;
	[sflag:s23] =	ssyncset.done $0x0  }
0x18: {  	[sflag:s23] =	ssyncadd.s32 s2;
	_ =	sdelay $0x1  }
0x19: {  	s24 =	simm.s32 $0x1B8B  }
0x1a: {  	_ =	swait.ge [sflag:s24], $0x1  }
0x1b: {  	[sflag:s24] =	ssyncset.done $0x0  }
0x1c: {  	s26 =	simm.s32 $0x1B8E;
	s25 =	sld [smem:$0x3FFE];
	[sflag:s24] =	ssyncadd.s32 $0xFFFFFFFF  }
0x1d: {  	s27 =	simm.s32 $execute0_lowered;
	[smem:$0x3FD2] =	sst s26  }
0x1e: {  	s4 =	sshll.u32 s27, $0x1;
	_ =	strace $0x80000046;
	[dreg:$0x1] =	wrdreg $0xFFFFFFFF  }
0x1f: {  	s28 =	simm.s32 $_size_execute0_lowered;
	s1 =	sadd.s32 s1, s4;
	[dreg:$0x0] =	wrdreg $0x0  }
0x20: {  	s4 =	sshll.u32 s28, $0x1;
	[dreg:$0x2] =	wrdreg s1  }
0x21: {  	[dreg:$0x3] =	wrdreg s4  }
0x22: {  	[dreg:$0x4] =	wrdreg $0xC0  }
0x23: {  	_ =	task [dreg:s6], $0x5FFFF  }
0x24: {  	[dreg:$0x1] =	wrdreg $0xFFFFFFFF  }
0x25: {  	[dreg:$0x0] =	wrdreg $0x60  }
0x26: {  	[dreg:$0x2] =	wrdreg s25  }
0x27: {  	[dreg:$0x3] =	wrdreg $0x9  }
0x28: {  	_ =	task.clear_ibuf [dreg:s6], $0x4FFFF;
	_ =	strace $0x90000046  }
0x29: {  	s29 =	simm.s32 $0x9;
	_ =	strace $0x80000048  }
0x2a: {  	_ =	swait.ge [sflag:s29], $0x1  }
0x2b: {  	[sflag:s29] =	ssyncadd.s32 $0xFFFFFFFF  }
0x2c: {  	_ =	strace $0x90000048  }
0x2d: {  	_ =	sfence  }
0x2e: {  	s30 =	sld [smem:$0x0];
	_ =	sdelay $0x2  }
0x2f: {  	s31 =	sshll.u32 s3, $0xD;
	s3 =	sshrl.u32 s3, $0x2  }
0x30: {  	s2 =	sand.u32 $0x4000, s31;
	s1 =	sadd.s32 s3, s30  }
0x31: {  	s0 =	sor.u32 s2, s0;
	s1 =	sshll.u32 s1, $0x11  }
0x32: {  	s0 =	sor.u32 s1, s0  }
0x33: {  	s0 =	sadd.s32 $0x8F2B, s0  }
0x34: {  	[sflag:s0] =	ssyncadd.remote.s32 $0x1  }
0x35: {  	_ =	sfence.sel $0xFFFF  }
0x36: {  	[dreg:$0x0] =	wrdreg $0xFFFFFFFF;
	(pc) =	sbr.abs _section_cstart, $3  }
0x37: {  	[dreg:$0x1] =	wrdreg $0xFFFFFFFF  }
0x38: {  	_ =	task.clear_ibuf [dreg:s6], $0x2FFFF;
	_ =	strace $0x9FFFFFFF  }
0x39: {  	(tm) =	ssettm $0x7FFFFFFF  }
tec
execute0_lowered:
.L_overlay_start_1:
0x0: {  	(tag) =	ssettag $0x1  }
0x1: {  	s1 =	srdreg.scid;
	s0 =	stileid.u32  }
0x2: {  	s8 =	rddreg [dreg:$0x0];
	s4 =	simm.s32 $0x1;
	s1 =	sshll.u32 s1, $0x4  }
0x3: {  	s9 =	simm.s32 $0x2;
	s17 =	simm.s32 $0x0;
	s1 =	sor.u32 s0, s1  }
0x4: {  	s10 =	simm.s32 $0x7000;
	s16 =	simm.s32 $0x0;
	s1 =	sshrl.u32 s1, $0x1  }
0x5: {  	s19 =	simm.s32 $0x0;
	s18 =	simm.s32 $0x0;
	s2 =	sand.u32 $0xE, s1  }
0x6: {  	s11 =	simm.s32 $0x0;
	s12 =	simm.s32 $0x0;
	s3 =	ssub.s32 $0xE0, s2  }
0x7: {  	s15 =	simm.s32 $0x0;
	s7 =	sand.u32 $0x3, s0;
	s31 =	sand.u32 $0xE, s3  }
0x8: {  	s14 =	smov.u32 s7;
	s1 =	rddreg [dreg:$0x1];
	p0 =	sne.s32 s31, $0x0  }
.Ltmp0:
0x9: {  	s5 =	sshrl.u32 s3, $0x4;
	s4 =	simm.s32 @!p0 $0x0;
	(pc) =	sbr.rel .LBB1_1-.Ltmp0, $4  }
0xa: {  	_ =	strace $0x80000047;
	s13 =	smov.u32 s2;
	s6 =	sadd.s32 s4, s5  }
0xb: {  	s3 =	sadd.s32 $0x1000, s8;
	s5 =	simm.s32 $0x1;
	s6 =	smul.u32 $0x15, s6  }
0xc: {  	p0 =	por $0x0, $0x0;
	s4 =	sadd.s32 $0x499000, s8;
	[sflag:s5] =	ssyncpa.u1 $0x0  }
0xd: {  	s8 =	sadd.s32 $0x2500, s8;
	[sflag:s9] =	ssyncpa.u1 $0x0;
	s9 =	sadd.s32 $0x1, s6  }
.LBB1_4:
0xe: {  	s23 =	sshll.u32 s19, $0x8;
	s24 =	sshll.u32 s16, $0x3  }
0xf: {  	s27 =	sshll.u32 s19, $0x7;
	s23 =	sand.u32 $0xFFFFF800, s23;
	s24 =	sand.u32 $0xFFFFFC00, s24  }
0x10: {  	[tilespmem:s20+$0x630 ss:$0x21] =	vst.msk $0xffff, v13;
	v7 =	vpack.i.b32.b16 v9, v7;
	s19 =	sand.u32 $0x300, s27;
	s23 =	sadd.s32 s23, s24  }
0x11: {  	v50 =	vpack.i.b32.b16 v12, v10;
	[tilespmem:s20+$0x631 ss:$0x21] =	vst.msk $0xffff, v7;
	s19 =	sor.u32 s19, s23  }
0x12: {  	v51 =	vunpack.i.l.s16.s32 v4;
	v52 =	vunpack.i.l.s16.s32 v5;
	v53 =	vpack.i.b32.b16 v11, v8;
	s18 =	smul.u32 $0x150000, s18;
	[tilespmem:s20+$0x840 ss:$0x21] =	vst.msk $0xffff, v50;
	s19 =	sshrl.u32 s19, $0x8  }
0x13: {  	v57 =	vunpack.i.l.s16.s32 v6;
	v56 =	vpack.i.b32.b16 v52, v51;
	[tilespmem:s20+$0x841 ss:$0x21] =	vst.msk $0xffff, v53;
	s28 =	smulhi.u32 $0x124924A, s19  }
0x14: {  	v54 =	vunpack.i.u.s16.s32 v4;
	v55 =	vunpack.i.u.s16.s32 v5;
	s17 =	smul.u32 $0xE00, s17;
	v1 =	vpack.i.b32.b16 v1, v57;
	[tilespmem:s20+$0xA50 ss:$0x21] =	vst.msk $0xffff, v56  }
0x15: {  	v58 =	vunpack.i.u.s16.s32 v6;
	v4 =	vpack.i.b32.b16 v55, v54;
	[tilespmem:s20+$0x0 ss:$0x21] =	vst.msk $0xffff, v1;
	s23 =	smul.u32 $0xE0, s28  }
0x16: {  	v59 =	vunpack.i.l.s16.s32 v2;
	v60 =	vunpack.i.l.s16.s32 v3;
	s29 =	sshrl.u32 s16, $0x3;
	s30 =	sand.u32 $0x7, s16;
	v0 =	vpack.i.b32.b16 v0, v58;
	s18 =	sadd.s32 s4, s18;
	[tilespmem:s20+$0xA51 ss:$0x21] =	vst.msk $0xffff, v4  }
0x17: {  	v61 =	vunpack.i.u.s16.s32 v2;
	v62 =	vunpack.i.u.s16.s32 v3;
	v1 =	vpack.i.b32.b16 v60, v59;
	[tilespmem:s22+$0x1 ss:$0x21] =	vst.msk $0xffff, v0;
	s20 =	sand.u32 $0xF, s29;
	s17 =	sadd.s32 s17, s18;
	s19 =	ssub.s32 s19, s23  }
0x18: {  	v63 =	vpack.i.b32.b16 v62, v61;
	s16 =	sshll.u32 s30, $0x12;
	[tilespmem:s22+$0xC60 ss:$0x21] =	vst.msk $0xffff, v1;
	s17 =	sadd.s32 s20, s17;
	s31 =	sshll.u32 s19, $0x4  }
0x19: {  	s16 =	sor.u32 $0x20, s16;
	[tilespmem:s22+$0xC61 ss:$0x21] =	vst.msk $0xffff, v63;
	s17 =	sadd.s32 s31, s17  }
0x1a: {  	[hbm4b:s17+s16] =	stream.strided.scatter [tilespmem:s21], [sflag:$0x2], $0x1000, s10, s16, $0x10;
	[tilespmem:$0x4100] =	vst v63  }
.LBB1_5:
0x1b: {  	s20 =	sadd.s32 $0x80, s11  }
0x1c: {  	s16 =	sadd.s32 $0x20, s12;
	s21 =	smov.u32 s12;
	p2 =	sgt.s32 s20, $0x17F  }
0x1d: {  	s21 =	smov.u32 @p2 s16  }
0x1e: {  	s22 =	smov.u32 s13;
	s16 =	sadd.s32 $0x10, s13;
	p3 =	sgt.s32 s21, $0xDF  }
0x1f: {  	s22 =	smov.u32 @p3 s16  }
0x20: {  	s23 =	smov.u32 s14;
	s16 =	sadd.s32 $0x4, s14;
	p4 =	sgt.s32 s22, $0xDF  }
0x21: {  	p1 =	slt.u32 s15, $0x2;
	s23 =	smov.u32 @p4 s16  }
0x22: {  	s17 =	smov.u32 s11;
	s20 =	simm.s32 @p2 $0x0;
	p2 =	sgt.s32 s23, $0x3  }
0x23: {  	s24 =	simm.s32 @!p1 $0x2;
	s23 =	smov.u32 @p2 s7;
	p2 =	sne.s32 s15, s9  }
.Ltmp1:
0x24: {  	s19 =	smov.u32 s13;
	_ =	swait.ge @!p1 [sflag:s24], $0x1000;
	(pc) =	sbr.rel @!p2 .LBB1_6-.Ltmp1, $4  }
0x25: {  	s18 =	smov.u32 s14;
	p0 =	por !p0, !p0;
	[sflag:s24] =	ssyncset.done @!p1 $0x0  }
0x26: {  	s11 =	smov.u32 s20;
	s21 =	simm.s32 @p3 $0x0;
	[sflag:s24] =	ssyncadd.s32 @!p1 $0xFFFFF000  }
0x27: {  	s22 =	smov.u32 @p4 s2;
	s16 =	smov.u32 s12;
	s12 =	smov.u32 s21  }
0x28: {  	s13 =	smov.u32 s22;
	s15 =	sadd.s32 $0x1, s15;
	s14 =	smov.u32 s23  }
.LBB1_1:
0x29: {  	p1 =	sge.u32 s15, s6  }
0x2a: {  	s20 =	sshrl.u32 @!p1 s12, $0x3  }
0x2b: {  	s21 =	sshll.u32 @!p1 s11, $0x3;
	s20 =	smul.u32 @!p1 $0xC00, s20  }
0x2c: {  	s22 =	sshll.u32 @!p1 s12, $0x7;
	s21 =	sand.u32 @!p1 $0xFFFFFC00, s21  }
0x2d: {  	s20 =	sadd.s32 @!p1 s20, s21;
	s21 =	sand.u32 @!p1 $0x300, s22;
	s22 =	sshll.u32 @!p1 s11, $0x1  }
0x2e: {  	s20 =	sor.u32 @!p1 s21, s20;
	s21 =	sand.u32 @!p1 $0xFE, s22  }
0x2f: {  	s22 =	sand.u32 @!p1 $0x1, s12;
	s20 =	sor.u32 @!p1 s21, s20  }
0x30: {  	s21 =	sor.u32 @!p1 s22, s20;
	s20 =	smulhi.u32 @!p1 $0xAAAAAAAB, s20;
	_ =	sdelay $0x1  }
0x31: {  	s22 =	smulhi.u32 @!p1 $0xAAAAAAAB, s21;
	s20 =	sshrl.u32 @!p1 s20, $0x8  }
0x32: {  	s23 =	smulhi.u32 @!p1 $0x124924A, s20  }
0x33: {  	s24 =	smul.u32 @!p1 $0x126000, s14  }
0x34: {  	s22 =	sshrl.u32 @!p1 s22, $0x8;
	s23 =	smul.u32 @!p1 $0xE0, s23  }
0x35: {  	s26 =	sxor.u32 @!p1 $0xFFFFFFFF, s15;
	s22 =	smul.u32 @!p1 $0x180, s22  }
0x36: {  	s27 =	simm.s32 @!p1 $0x600;
	s20 =	ssub.s32 @!p1 s20, s23;
	s23 =	smul.u32 @!p1 $0x1500, s13  }
0x37: {  	s25 =	sadd.s32 @!p1 s3, s24;
	s21 =	ssub.s32 @!p1 s21, s22;
	s20 =	smul.u32 @!p1 $0x18, s20  }
0x38: {  	s22 =	sadd.s32 @!p1 s23, s25;
	s25 =	sshrl.u32 @!p1 s21, $0x4;
	s21 =	sshll.u32 @!p1 s21, $0x11  }
0x39: {  	s26 =	sshll.u32 @!p1 s26, $0xC;
	s22 =	sadd.s32 @!p1 s20, s22;
	s21 =	sand.u32 @!p1 $0x1C0000, s21  }
0x3a: {  	s26 =	sand.u32 @!p1 $0x1000, s26;
	s22 =	sadd.s32 @!p1 s25, s22;
	s21 =	sor.u32 @!p1 $0x200, s21  }
0x3b: {  	[tilespmem:s26], [sflag:$0x1] =	stream.strided.gather @!p1 [hbm4b:s22+s21], $0x800, s27, s21, $0x38;
	[tilespmem:$0x4100] =	vst v63  }
0x3c: {  	s22 =	sadd.s32 @!p1 s24, s8  }
0x3d: {  	s22 =	sadd.s32 @!p1 s23, s22  }
0x3e: {  	s20 =	sadd.s32 @!p1 s20, s22  }
0x3f: {  	s31 =	sadd.s32 $0xFFFFFFFF, s15;
	s22 =	sor.u32 @!p1 $0x800, s26;
	s20 =	sadd.s32 @!p1 s25, s20  }
0x40: {  	[tilespmem:s22], [sflag:$0x1] =	stream.strided.gather @!p1 [hbm4b:s20+s21], $0x800, s27, s21, $0x38;
	[tilespmem:$0x4100] =	vst v63  }
0x41: {  	p1 =	sge.u32 s31, s6  }
.Ltmp2:
0x42: {  	_ = 	snop;
	(pc) =	sbr.rel @p1 .LBB1_5-.Ltmp2, $1  }
0x43: {  	_ =	sdelay $0x3  }
0x44: {  	s20 =	simm.s32 $0x1  }
0x45: {  	_ =	swait.ge [sflag:s5], $0x1000;
	s20 =	simm.s32 @!p0 $0x0  }
0x46: {  	[sflag:s5] =	ssyncset.done $0x0;
	s21 =	sshll.u32 s20, $0xC  }
0x47: {  	[sflag:s5] =	ssyncadd.s32 $0xFFFFF000;
	s22 =	sor.u32 $0x800, s21  }
0x48: {  	v0 =	vld [tilespmem:s22+$0xFFFFF870]  }
0x49: {  	v1 =	vld [tilespmem:s22+$0x70]  }
0x4a: {  	v2 =	vld [tilespmem:s22+$0x0]  }
0x4b: {  	v3 =	vld [tilespmem:s22+$0xFFFFF810]  }
0x4c: {  	v5 =	vld [tilespmem:s22+$0xFFFFF820]  }
0x4d: {  	v4 =	vld [tilespmem:s22+$0x10]  }
0x4e: {  	v6 =	vld [tilespmem:s22+$0x20]  }
0x4f: {  	s20 =	smul.u32 $0x4200, s20;
	v9 =	vld [tilespmem:s22+$0xFFFFF830];
	v7 =	vunpack.i.l.s16.s32 v0;
	v8 =	vunpack.i.l.s16.s32 v1  }
0x50: {  	v10 =	vunpack.i.u.s16.s32 v0;
	v11 =	vunpack.i.u.s16.s32 v1;
	v0 =	vunpack.i.u.s16.s32 v2  }
0x51: {  	s20 =	sshrl.u32 s20, $0x2;
	v1 =	vunpack.i.l.s16.s32 v2;
	v2 =	vld [tilespmem:s22+$0x30];
	v13 =	vunpack.i.u.s16.s32 v5;
	v14 =	vunpack.i.l.s16.s32 v5  }
0x52: {  	v12 =	vld [tilespmem:s22+$0xFFFFF840];
	s20 =	sor.u32 $0x2000, s20;
	v7 =	vpack.i.b32.b16 v8, v7;
	v8 =	vpack.i.b32.b16 v11, v10;
	v10 =	vunpack.i.u.s16.s32 v3  }
0x53: {  	v15 =	vld [tilespmem:s22+$0x40];
	v3 =	vunpack.i.l.s16.s32 v3;
	v11 =	vunpack.i.u.s16.s32 v4;
	v4 =	vunpack.i.l.s16.s32 v4;
	[tilespmem:s20+$0xE70 ss:$0x21] =	vst.msk $0xffff, v7  }
0x54: {  	s31 =	sand.u32 $0x1, s15;
	v3 =	vpack.i.b32.b16 v4, v3;
	v4 =	vld [tilespmem:s22+$0xFFFFF850];
	v7 =	vunpack.i.u.s16.s32 v9;
	[tilespmem:s20+$0xE71 ss:$0x21] =	vst.msk $0xffff, v8;
	v8 =	vunpack.i.u.s16.s32 v6  }
0x55: {  	s21 =	smul.u32 $0x4200, s31;
	v5 =	vld [tilespmem:s22+$0x50];
	v6 =	vunpack.i.l.s16.s32 v6;
	[tilespmem:s20+$0x210 ss:$0x21] =	vst.msk $0xffff, v3;
	v3 =	vpack.i.b32.b16 v11, v10;
	v11 =	vunpack.i.l.s16.s32 v9  }
0x56: {  	[tilespmem:s20+$0x211 ss:$0x21] =	vst.msk $0xffff, v3;
	v3 =	vpack.i.b32.b16 v6, v14;
	v9 =	vunpack.i.u.s16.s32 v2;
	v14 =	vunpack.i.l.s16.s32 v2;
	v2 =	vld [tilespmem:s22+$0xFFFFF860]  }
0x57: {  	s23 =	simm.s32 $0x0;
	s21 =	sshrl.u32 s21, $0x2;
	v10 =	vunpack.i.l.s16.s32 v12;
	v13 =	vpack.i.b32.b16 v8, v13;
	v8 =	vunpack.i.u.s16.s32 v12;
	[tilespmem:s20+$0x420 ss:$0x21] =	vst.msk $0xffff, v3;
	v3 =	vld [tilespmem:s22+$0x60]  }
0x58: {  	s24 =	sadd.s32 $0x80, s22;
	s21 =	sor.u32 $0x2000, s21;
	v6 =	vld [tilespmem:s22+$0xFFFFF800];
	v12 =	vunpack.i.l.s16.s32 v15;
	s22 =	smov.u32 s20;
	[tilespmem:s20+$0x421 ss:$0x21] =	vst.msk $0xffff, v13;
	v13 =	vpack.i.b32.b16 v14, v11;
	v11 =	vunpack.i.u.s16.s32 v15  }
.LBB1_3:
0x59: {  	v14 =	vld [tilespmem:s24+$0xFFFFF870];
	[tilespmem:s20+$0x630 ss:$0x21] =	vst.msk $0xffff, v13;
	v7 =	vpack.i.b32.b16 v9, v7;
	v9 =	vunpack.i.u.s16.s32 v4;
	v4 =	vunpack.i.l.s16.s32 v4  }
0x5a: {  	v13 =	vld [tilespmem:s24+$0x70];
	[tilespmem:s20+$0x631 ss:$0x21] =	vst.msk $0xffff, v7;
	v7 =	vpack.i.b32.b16 v12, v10;
	v10 =	vunpack.i.u.s16.s32 v5;
	v5 =	vunpack.i.l.s16.s32 v5  }
0x5b: {  	s23 =	sadd.s32 $0x2, s23;
	v12 =	vld [tilespmem:s24+$0x0];
	[tilespmem:s20+$0x840 ss:$0x21] =	vst.msk $0xffff, v7;
	v7 =	vpack.i.b32.b16 v11, v8;
	v8 =	vunpack.i.u.s16.s32 v2;
	v2 =	vunpack.i.l.s16.s32 v2  }
0x5c: {  	p1 =	slt.u32 s23, $0x1E;
	v4 =	vpack.i.b32.b16 v5, v4;
	v5 =	vunpack.i.u.s16.s32 v3;
	v3 =	vunpack.i.l.s16.s32 v3;
	v11 =	vld [tilespmem:s24+$0xFFFFF810];
	[tilespmem:s20+$0x841 ss:$0x21] =	vst.msk $0xffff, v7  }
0x5d: {  	v15 =	vunpack.i.u.s16.s32 v6;
	v6 =	vunpack.i.l.s16.s32 v6;
	v7 =	vld [tilespmem:s24+$0x10];
	[tilespmem:s20+$0xA50 ss:$0x21] =	vst.msk $0xffff, v4;
	v4 =	vpack.i.b32.b16 v10, v9  }
0x5e: {  	v1 =	vpack.i.b32.b16 v1, v6;
	v0 =	vpack.i.b32.b16 v0, v15;
	v2 =	vpack.i.b32.b16 v3, v2;
	v9 =	vld [tilespmem:s24+$0xFFFFF820];
	[tilespmem:s20+$0xA51 ss:$0x21] =	vst.msk $0xffff, v4  }
0x5f: {  	v5 =	vpack.i.b32.b16 v5, v8;
	v4 =	vunpack.i.l.s16.s32 v14;
	v3 =	vld [tilespmem:s24+$0x20];
	v6 =	vunpack.i.l.s16.s32 v13;
	[tilespmem:s20+$0x0 ss:$0x21] =	vst.msk $0xffff, v1  }
0x60: {  	v10 =	vunpack.i.u.s16.s32 v14;
	v13 =	vunpack.i.u.s16.s32 v13;
	s20 =	sadd.s32 $0x2, s20;
	v8 =	vld [tilespmem:s24+$0xFFFFF830];
	v4 =	vpack.i.b32.b16 v6, v4;
	[tilespmem:s22+$0x1 ss:$0x21] =	vst.msk $0xffff, v0  }
0x61: {  	v0 =	vunpack.i.u.s16.s32 v12;
	v1 =	vunpack.i.l.s16.s32 v12;
	v6 =	vld [tilespmem:s24+$0x30];
	[tilespmem:s20+$0xE70 ss:$0x21] =	vst.msk $0xffff, v4;
	v4 =	vpack.i.b32.b16 v13, v10  }
0x62: {  	v10 =	vunpack.i.u.s16.s32 v11;
	v11 =	vunpack.i.l.s16.s32 v11;
	v12 =	vunpack.i.u.s16.s32 v7;
	v13 =	vld [tilespmem:s24+$0xFFFFF840];
	[tilespmem:s20+$0xE71 ss:$0x21] =	vst.msk $0xffff, v4  }
0x63: {  	v4 =	vunpack.i.l.s16.s32 v7;
	v14 =	vunpack.i.u.s16.s32 v9;
	v9 =	vunpack.i.l.s16.s32 v9;
	v15 =	vld [tilespmem:s24+$0x40];
	[tilespmem:s22+$0xC60 ss:$0x21] =	vst.msk $0xffff, v2  }
.Ltmp3:
0x64: {  	v2 =	vpack.i.b32.b16 v4, v11;
	v11 =	vunpack.i.u.s16.s32 v3;
	v3 =	vunpack.i.l.s16.s32 v3;
	v4 =	vld [tilespmem:s24+$0xFFFFF850];
	[tilespmem:s22+$0xC61 ss:$0x21] =	vst.msk $0xffff, v5;
	s22 =	smov.u32 s20;
	(pc) =	sbr.rel @p1 .LBB1_3-.Ltmp3, $4  }
0x65: {  	[tilespmem:s20+$0x210 ss:$0x21] =	vst.msk $0xffff, v2;
	v2 =	vpack.i.b32.b16 v12, v10;
	v7 =	vunpack.i.u.s16.s32 v8;
	v12 =	vunpack.i.l.s16.s32 v8;
	v5 =	vld [tilespmem:s24+$0x50]  }
0x66: {  	v3 =	vpack.i.b32.b16 v3, v9;
	[tilespmem:s20+$0x211 ss:$0x21] =	vst.msk $0xffff, v2;
	v9 =	vunpack.i.u.s16.s32 v6;
	v16 =	vunpack.i.l.s16.s32 v6;
	v2 =	vld [tilespmem:s24+$0xFFFFF860]  }
0x67: {  	v11 =	vpack.i.b32.b16 v11, v14;
	[tilespmem:s20+$0x420 ss:$0x21] =	vst.msk $0xffff, v3;
	v8 =	vunpack.i.u.s16.s32 v13;
	v10 =	vunpack.i.l.s16.s32 v13;
	v3 =	vld [tilespmem:s24+$0x60]  }
0x68: {  	v13 =	vpack.i.b32.b16 v16, v12;
	v6 =	vld [tilespmem:s24+$0xFFFFF800];
	[tilespmem:s20+$0x421 ss:$0x21] =	vst.msk $0xffff, v11;
	v11 =	vunpack.i.u.s16.s32 v15;
	v12 =	vunpack.i.l.s16.s32 v15;
	s24 =	sadd.s32 $0x80, s24  }
.Ltmp4:
0x69: {  	_ = 	snop;
	(pc) =	sbr.rel .LBB1_4-.Ltmp4, $1  }
0x6a: {  	_ =	sdelay $0x3  }
.LBB1_6:
0x6b: {  	_ =	sfence.sel $0x180000  }
0x6c: {  	s2 =	simm.s32 $0x1;
	[bflag:$0x0] =	sbarrier.arrive $0xFFFF  }
0x6d: {  	s31 =	simm.s32 $0x2;
	[sflag:s2] =	ssyncpa.u1 $0x1  }
0x6e: {  	[sflag:s31] =	ssyncpa.u1 $0x1  }
0x6f: {  	p0 =	sne.s32 s0, $0x0;
	_ =	strace $0x90000047  }
0x70: {  	s0 =	sadd.s32 @!p0 $0x100000, s1;
	[bflag:$0x2] =	sbarrier.arrive $0xFFFF  }
0x71: {  	[sflag:s0] =	ssyncadd.tile.s32 @!p0 $0x1;
	_ =	shalt  }
.Lfunc_end1:
_tile_overlayer_lowered:
.L_overlay_start_2:
0x72: {  	(tag) =	ssettag $0x2  }
0x73: {  	s0 =	rddreg [dreg:$0x0];
	s2 =	stileid.u32  }
0x74: {  	s1 =	rddreg [dreg:$0x1];
	p0 =	sne.s32 s2, $0x0  }
0x75: {  	s3 =	rddreg [dreg:$0x2];
	[bflag:$0x3] =	sbarrier.arrive $0xFFFF;
	s2 =	simm.s32 @!p0 $0x1C01  }
0x76: {  	[timem:s3], [sflag:s2] =	dma.local @!p0 [hbm:s0], s1  }
0x77: {  	s0 =	simm.s32 @!p0 $0x1  }
0x78: {  	_ =	swait.ge @!p0 [sflag:s0], s1  }
0x79: {  	s1 =	ssub.s32 @!p0 $0x0, s1;
	[sflag:s0] =	ssyncset.done @!p0 $0x0  }
0x7a: {  	[sflag:s0] =	ssyncadd.s32 @!p0 s1  }
0x7b: {  	[bflag:$0x3] =	sbarrier.arrive $0xFFFF  }
0x7c: {  	_ =	shalt  }

</sc_bundles>
